<compile_context>
chip_gen: v7x
topology: tpu7x:2x2x1
jax: 0.10.2.dev20260603
libtpu: 0.0.44.dev20260713+nightly
codegen_flags: <defaults>
</compile_context>

<pallas_src>
import functools

import jax
import jax.numpy as jnp
from jax import lax
from jax.experimental import pallas as pl
from jax.experimental.pallas import tpu as pltpu
from jax.experimental.pallas import tpu_sc as plsc

_NMUT = 5
_MAXCOS = 0.99
_LANES = 16
_GRAN = 128
_KB = 2048


def _build_sc_gather(B, L, C, d):

    def body(wp2_hbm, seqf_hbm, pos_hbm, nuc_hbm,
             outn_hbm, outo_hbm,
             pos_v, nuc_v, idx_old, idx_new,
             idx1, idx2, idx3, g1, g2, g3,
             wold_v, wnew_v, sem_g, sem_w, sem_io):
        cid = lax.axis_index("c")
        sid = lax.axis_index("s")
        wid = sid * 2 + cid
        cp_p = pltpu.async_copy(pos_hbm.at[wid], pos_v, sem_io)
        cp_n = pltpu.async_copy(nuc_hbm.at[wid], nuc_v, sem_io)
        cp_p.wait()
        cp_n.wait()
        posv = pos_v[...]
        nucv = nuc_v[...]
        idx_new[...] = nucv * L + posv
        cp_new = pltpu.async_copy(wp2_hbm.at[idx_new], wnew_v, sem_w)
        base = jnp.broadcast_to(wid * (C * L), (_LANES,)).astype(jnp.int32) + posv
        idx1[...] = base + L
        cp1 = pltpu.async_copy(seqf_hbm.at[idx1], g1, sem_g)
        idx2[...] = base + 2 * L
        cp2 = pltpu.async_copy(seqf_hbm.at[idx2], g2, sem_g)
        idx3[...] = base + 3 * L
        cp3 = pltpu.async_copy(seqf_hbm.at[idx3], g3, sem_g)
        cp1.wait()
        cp2.wait()
        cp3.wait()
        c_old = (g1[...] + 2.0 * g2[...] + 3.0 * g3[...]).astype(jnp.int32)
        idx_old[...] = c_old * L + posv
        cp_old = pltpu.async_copy(wp2_hbm.at[idx_old], wold_v, sem_w)
        cp_new.wait()
        cp_old.wait()
        co1 = pltpu.async_copy(wnew_v, outn_hbm.at[wid], sem_io)
        co2 = pltpu.async_copy(wold_v, outo_hbm.at[wid], sem_io)
        co1.wait()
        co2.wait()

    mesh = plsc.VectorSubcoreMesh(core_axis_name="c", subcore_axis_name="s",
                                  num_cores=2, num_subcores=16)
    return pl.kernel(
        body,
        out_type=(jax.ShapeDtypeStruct((B, _LANES, _GRAN), jnp.float32),
                  jax.ShapeDtypeStruct((B, _LANES, _GRAN), jnp.float32)),
        mesh=mesh,
        scratch_types=[
            pltpu.VMEM((_LANES,), jnp.int32),
            pltpu.VMEM((_LANES,), jnp.int32),
            pltpu.VMEM((_LANES,), jnp.int32),
            pltpu.VMEM((_LANES,), jnp.int32),
            pltpu.VMEM((_LANES,), jnp.int32),
            pltpu.VMEM((_LANES,), jnp.int32),
            pltpu.VMEM((_LANES,), jnp.int32),
            pltpu.VMEM((_LANES,), jnp.float32),
            pltpu.VMEM((_LANES,), jnp.float32),
            pltpu.VMEM((_LANES,), jnp.float32),
            pltpu.VMEM((_LANES, _GRAN), jnp.float32),
            pltpu.VMEM((_LANES, _GRAN), jnp.float32),
            pltpu.SemaphoreType.DMA,
            pltpu.SemaphoreType.DMA,
            pltpu.SemaphoreType.DMA,
        ],
    )


def _make_tc_body(B, C, d):
    def _tc_body(pn_ref, po_ref, seqt_ref, wp_ref, out_ref, acc_ref):
        k = pl.program_id(0)

        @pl.when(k == 0)
        def _init():
            acc_ref[...] = jnp.zeros_like(acc_ref)

        st = seqt_ref[...]
        acc = None
        for c in range(C):
            part = jnp.dot(st[:, c, :], wp_ref[c][:, :d],
                           preferred_element_type=jnp.float32)
            acc = part if acc is None else acc + part
        acc_ref[...] += acc

        @pl.when(k == pl.num_programs(0) - 1)
        def _finish():
            u = acc_ref[...]
            w_new = pn_ref[:, :, :d]
            w_old = po_ref[:, :, :d]
            v = u[:, None, :] + w_new - w_old
            nu = jnp.maximum(jnp.sqrt(jnp.sum(u * u, axis=-1)), 1e-12)
            nv = jnp.maximum(jnp.sqrt(jnp.sum(v * v, axis=-1)), 1e-12)
            uv = jnp.sum(u[:, None, :] * v, axis=-1)
            cos = jnp.minimum(uv / (nu[:, None] * nv), _MAXCOS)
            lt = -jnp.log(1.0 - cos)
            mask = lax.broadcasted_iota(jnp.int32, lt.shape, 1) < _NMUT
            out_ref[0, 0] = jnp.sum(jnp.where(mask, lt, 0.0)) / (lt.shape[0] * _NMUT)

    return _tc_body


def kernel(sequences, W, positions, nucleotides):
    B, L, C = sequences.shape
    d = W.shape[1]
    n = _NMUT
    seqT = jnp.transpose(sequences, (0, 2, 1))
    seqf = seqT.reshape(B * C * L)
    Wp = jnp.pad(jnp.transpose(W.T.reshape(d, L, C), (2, 1, 0)),
                 ((0, 0), (0, 0), (0, _GRAN - d)))
    wp2 = Wp.reshape(C * L, _GRAN)
    pos2 = jnp.zeros((B, _LANES), jnp.int32).at[:, :n].set(
        positions.reshape(B, n).astype(jnp.int32))
    nuc2 = jnp.zeros((B, _LANES), jnp.int32).at[:, :n].set(
        nucleotides.reshape(B, n).astype(jnp.int32))

    pn, po = _build_sc_gather(B, L, C, d)(wp2, seqf, pos2, nuc2)

    nk = L // _KB
    loss = pl.pallas_call(
        _make_tc_body(B, C, d),
        grid=(nk,),
        in_specs=[
            pl.BlockSpec((B, _LANES, _GRAN), lambda k: (0, 0, 0)),
            pl.BlockSpec((B, _LANES, _GRAN), lambda k: (0, 0, 0)),
            pl.BlockSpec((B, C, _KB), lambda k: (0, 0, k)),
            pl.BlockSpec((C, _KB, _GRAN), lambda k: (0, k, 0)),
        ],
        out_specs=pl.BlockSpec((1, 1), lambda k: (0, 0),
                               memory_space=pltpu.SMEM),
        out_shape=jax.ShapeDtypeStruct((1, 1), jnp.float32),
        scratch_shapes=[pltpu.VMEM((B, d), jnp.float32)],
    )(pn, po, seqT, Wp)
    return loss[0, 0]

# --- scband reference (transcript-rebuilt; emitter-appended) ---
"""Pipeline reference for scband-variant-contrastive-loss-3659312136872 (READ-ONLY COPY).

The authoritative reference and input builder live on the scoring server;
editing this copy changes nothing except your own understanding.
"""

import jax, jax.numpy as jnp
import numpy as np

N_MUT = 5
MAX_COS = 0.99


def _normalize(x, eps=1e-12):
    n = jnp.linalg.norm(x, axis=-1, keepdims=True)
    return x / jnp.maximum(n, eps)


def _encode(x, W):
    # proxy for model.encode: flatten one-hot sequence and project
    return x.reshape(x.shape[0], -1) @ W


def setup_inputs(seed: int = 0) -> dict:
    key = jax.random.key(seed)
    B, L, C, n, d = 32, 16384, 4, N_MUT, 64
    k1, k2, k3, k4 = jax.random.split(key, 4)
    base = jax.random.randint(k1, (B, L), 0, C)
    sequences = jax.nn.one_hot(base, C, dtype=jnp.float32)
    positions = jax.random.randint(k2, (B * n,), 0, L)
    nucleotides = jax.random.randint(k3, (B * n,), 0, C)
    W = jax.random.normal(k4, (L * C, d), dtype=jnp.float32) * 0.01
    return {"sequences": sequences, "W": W, "positions": positions, "nucleotides": nucleotides}


def reference(sequences, W, positions, nucleotides):
    B, L, C = sequences.shape
    n = N_MUT
    # h_ref = normalize(model.encode(sequences))
    h_ref = _normalize(_encode(sequences, W))
    # generate mutations: repeat_interleave then scatter-overwrite one position per mutant
    mutants = jnp.repeat(sequences, n, axis=0)  # [B*n, L, C]
    idx = jnp.arange(B * n)
    mutants = mutants.at[idx, positions, :].set(0.0)
    mutants = mutants.at[idx, positions, nucleotides].set(1.0)
    h_mut = _normalize(_encode(mutants, W))
    h_mut = h_mut.reshape(B, n, -1)
    h_ref_exp = h_ref[:, None, :]
    cosine_sim = (h_ref_exp * h_mut).sum(axis=-1)
    cosine_sim = jnp.minimum(cosine_sim, MAX_COS)
    loss = -jnp.log(1.0 - cosine_sim)
    return loss.mean()

if __name__ == "__main__":
    import jax
    _d = setup_inputs()
    print(jax.jit(kernel)(*tuple(_d.values())))

</pallas_src>

<mosaic_0001>
#map = affine_map<(d0, d1) -> (0, 0)>
#map1 = affine_map<(d0, d1) -> (0)>
#map2 = affine_map<(d0, d1) -> (0, 0, 0)>
module attributes {stable_mosaic.version = 14 : i64} {
  func.func @body(%arg0: i32, %arg1: i32, %arg2: memref<65536x128xf32, #tpu.memory_space<hbm>>, %arg3: memref<2097152xf32, #tpu.memory_space<hbm>>, %arg4: memref<32x16xi32, #tpu.memory_space<hbm>>, %arg5: memref<32x16xi32, #tpu.memory_space<hbm>>, %arg6: memref<32x16x128xf32, #tpu.memory_space<hbm>>, %arg7: memref<32x16x128xf32, #tpu.memory_space<hbm>>, %arg8: memref<16xi32, #tpu.memory_space<vmem>>, %arg9: memref<16xi32, #tpu.memory_space<vmem>>, %arg10: memref<16xi32, #tpu.memory_space<vmem>>, %arg11: memref<16xi32, #tpu.memory_space<vmem>>, %arg12: memref<16xi32, #tpu.memory_space<vmem>>, %arg13: memref<16xi32, #tpu.memory_space<vmem>>, %arg14: memref<16xi32, #tpu.memory_space<vmem>>, %arg15: memref<16xf32, #tpu.memory_space<vmem>>, %arg16: memref<16xf32, #tpu.memory_space<vmem>>, %arg17: memref<16xf32, #tpu.memory_space<vmem>>, %arg18: memref<16x128xf32, #tpu.memory_space<vmem>>, %arg19: memref<16x128xf32, #tpu.memory_space<vmem>>, %arg20: memref<!tpu.dma_semaphore, #tpu.memory_space<semaphore_mem>>, %arg21: memref<!tpu.dma_semaphore, #tpu.memory_space<semaphore_mem>>, %arg22: memref<!tpu.dma_semaphore, #tpu.memory_space<semaphore_mem>>) attributes {dimension_semantics = [#tpu.dimension_semantics<core_parallel>, #tpu.dimension_semantics<subcore_parallel>], iteration_bounds = array<i64: 2, 16>, scalar_prefetch = 0 : i64, scratch_operands = 15 : i64, tpu.core_type = #tpu.core_type<sc_vector_subcore>, window_params = [{transform_indices = #map}, {transform_indices = #map1}, {transform_indices = #map}, {transform_indices = #map}, {transform_indices = #map2}, {transform_indices = #map2}]} {
    %mul3A = arith.constant 2 : i32
    %mul3A_0 = arith.muli %arg1, %mul3A : i32
    %add3A = arith.addi %mul3A_0, %arg0 : i32
    %dma_start3A = arith.constant 0 : i32
    %dma_start3A_1 = tpu.memref_slice %arg4[%add3A, %dma_start3A] : memref<32x16xi32, #tpu.memory_space<hbm>> -> memref<1x16xi32, #tpu.memory_space<hbm>>
    %dma_start3A_2 = tpu.memref_squeeze %dma_start3A_1 : memref<1x16xi32, #tpu.memory_space<hbm>> -> memref<16xi32, #tpu.memory_space<hbm>>
    %dma_start3A_3 = arith.constant 0 : i32
    %dma_start3A_4 = tpu.memref_slice %arg4[%add3A, %dma_start3A_3] : memref<32x16xi32, #tpu.memory_space<hbm>> -> memref<1x16xi32, #tpu.memory_space<hbm>>
    %dma_start3A_5 = tpu.memref_squeeze %dma_start3A_4 : memref<1x16xi32, #tpu.memory_space<hbm>> -> memref<16xi32, #tpu.memory_space<hbm>>
    tpu.enqueue_dma source(%dma_start3A_5 : memref<16xi32, #tpu.memory_space<hbm>>) target(%arg8 : memref<16xi32, #tpu.memory_space<vmem>>) target_semaphore(%arg22 : memref<!tpu.dma_semaphore, #tpu.memory_space<semaphore_mem>>)
    %dma_start3A_6 = arith.constant 0 : i32
    %dma_start3A_7 = tpu.memref_slice %arg5[%add3A, %dma_start3A_6] : memref<32x16xi32, #tpu.memory_space<hbm>> -> memref<1x16xi32, #tpu.memory_space<hbm>>
    %dma_start3A_8 = tpu.memref_squeeze %dma_start3A_7 : memref<1x16xi32, #tpu.memory_space<hbm>> -> memref<16xi32, #tpu.memory_space<hbm>>
    %dma_start3A_9 = arith.constant 0 : i32
    %dma_start3A_10 = tpu.memref_slice %arg5[%add3A, %dma_start3A_9] : memref<32x16xi32, #tpu.memory_space<hbm>> -> memref<1x16xi32, #tpu.memory_space<hbm>>
    %dma_start3A_11 = tpu.memref_squeeze %dma_start3A_10 : memref<1x16xi32, #tpu.memory_space<hbm>> -> memref<16xi32, #tpu.memory_space<hbm>>
    tpu.enqueue_dma source(%dma_start3A_11 : memref<16xi32, #tpu.memory_space<hbm>>) target(%arg9 : memref<16xi32, #tpu.memory_space<vmem>>) target_semaphore(%arg22 : memref<!tpu.dma_semaphore, #tpu.memory_space<semaphore_mem>>)
    %dma_wait3A = arith.constant 0 : i32
    %dma_wait3A_12 = tpu.memref_slice %arg4[%add3A, %dma_wait3A] : memref<32x16xi32, #tpu.memory_space<hbm>> -> memref<1x16xi32, #tpu.memory_space<hbm>>
    %dma_wait3A_13 = tpu.memref_squeeze %dma_wait3A_12 : memref<1x16xi32, #tpu.memory_space<hbm>> -> memref<16xi32, #tpu.memory_space<hbm>>
    %dma_wait3A_14 = arith.constant 0 : i32
    %dma_wait3A_15 = tpu.memref_slice %arg4[%add3A, %dma_wait3A_14] : memref<32x16xi32, #tpu.memory_space<hbm>> -> memref<1x16xi32, #tpu.memory_space<hbm>>
    %dma_wait3A_16 = tpu.memref_squeeze %dma_wait3A_15 : memref<1x16xi32, #tpu.memory_space<hbm>> -> memref<16xi32, #tpu.memory_space<hbm>>
    tpu.wait_dma2 semaphore(%arg22 : memref<!tpu.dma_semaphore, #tpu.memory_space<semaphore_mem>>) src(%dma_wait3A_16 : memref<16xi32, #tpu.memory_space<hbm>>) dst(%arg8 : memref<16xi32, #tpu.memory_space<vmem>>)
    %dma_wait3A_17 = arith.constant 0 : i32
    %dma_wait3A_18 = tpu.memref_slice %arg5[%add3A, %dma_wait3A_17] : memref<32x16xi32, #tpu.memory_space<hbm>> -> memref<1x16xi32, #tpu.memory_space<hbm>>
    %dma_wait3A_19 = tpu.memref_squeeze %dma_wait3A_18 : memref<1x16xi32, #tpu.memory_space<hbm>> -> memref<16xi32, #tpu.memory_space<hbm>>
    %dma_wait3A_20 = arith.constant 0 : i32
    %dma_wait3A_21 = tpu.memref_slice %arg5[%add3A, %dma_wait3A_20] : memref<32x16xi32, #tpu.memory_space<hbm>> -> memref<1x16xi32, #tpu.memory_space<hbm>>
    %dma_wait3A_22 = tpu.memref_squeeze %dma_wait3A_21 : memref<1x16xi32, #tpu.memory_space<hbm>> -> memref<16xi32, #tpu.memory_space<hbm>>
    tpu.wait_dma2 semaphore(%arg22 : memref<!tpu.dma_semaphore, #tpu.memory_space<semaphore_mem>>) src(%dma_wait3A_22 : memref<16xi32, #tpu.memory_space<hbm>>) dst(%arg9 : memref<16xi32, #tpu.memory_space<vmem>>)
    %get3A = arith.constant 0 : index
    %get3A_23 = tpu.vector_load %arg8[%get3A] {strides = array<i32>} : memref<16xi32, #tpu.memory_space<vmem>>, vector<16xi32>,
    %get3A_24 = vector.shape_cast %get3A_23 : vector<16xi32> to vector<16xi32>
    %get3A_25 = arith.constant 0 : index
    %get3A_26 = tpu.vector_load %arg9[%get3A_25] {strides = array<i32>} : memref<16xi32, #tpu.memory_space<vmem>>, vector<16xi32>,
    %get3A_27 = vector.shape_cast %get3A_26 : vector<16xi32> to vector<16xi32>
    %mul3A_28 = arith.constant 16384 : i32
    %mul3A_29 = vector.broadcast %mul3A_28 : i32 to vector<16xi32>
    %mul3A_30 = arith.muli %get3A_27, %mul3A_29 : vector<16xi32>
    %add3A_31 = arith.addi %mul3A_30, %get3A_24 : vector<16xi32>
    %swap3A = arith.constant 0 : index
    %swap3A_32 = tpu.vector_load %arg11[%swap3A] {strides = array<i32>} : memref<16xi32, #tpu.memory_space<vmem>>, vector<16xi32>,
    %swap3A_33 = vector.shape_cast %swap3A_32 : vector<16xi32> to vector<16xi32>
    %swap3A_34 = vector.shape_cast %add3A_31 : vector<16xi32> to vector<16xi32>
    tpu.vector_store %arg11[%swap3A], %swap3A_34 {strides = array<i32>} : memref<16xi32, #tpu.memory_space<vmem>>, vector<16xi32>,
    %dma_start3A_35 = arith.constant 0 : i32
    %dma_start3A_36 = arith.constant 0 : i32
    %dma_start3A_37 = tpu.memref_slice %arg2[%dma_start3A_35, %dma_start3A_36] : memref<65536x128xf32, #tpu.memory_space<hbm>> -> memref<65536x128xf32, #tpu.memory_space<hbm>>
    tpu.enqueue_indirect_dma source(%dma_start3A_37 : memref<65536x128xf32, #tpu.memory_space<hbm>>) target(%arg19 : memref<16x128xf32, #tpu.memory_space<vmem>>) offsets(%arg11 : memref<16xi32, #tpu.memory_space<vmem>>) semaphore(%arg21 : memref<!tpu.dma_semaphore, #tpu.memory_space<semaphore_mem>>)
    %mul3A_38 = arith.constant 65536 : i32
    %mul3A_39 = arith.muli %add3A, %mul3A_38 : i32
    %broadcast_in_dim3A = vector.broadcast %mul3A_39 : i32 to vector<16xi32>
    %add3A_40 = arith.addi %broadcast_in_dim3A, %get3A_24 : vector<16xi32>
    %add3A_41 = arith.constant 16384 : i32
    %add3A_42 = vector.broadcast %add3A_41 : i32 to vector<16xi32>
    %add3A_43 = arith.addi %add3A_40, %add3A_42 : vector<16xi32>
    %swap3A_44 = arith.constant 0 : index
    %swap3A_45 = tpu.vector_load %arg12[%swap3A_44] {strides = array<i32>} : memref<16xi32, #tpu.memory_space<vmem>>, vector<16xi32>,
    %swap3A_46 = vector.shape_cast %swap3A_45 : vector<16xi32> to vector<16xi32>
    %swap3A_47 = vector.shape_cast %add3A_43 : vector<16xi32> to vector<16xi32>
    tpu.vector_store %arg12[%swap3A_44], %swap3A_47 {strides = array<i32>} : memref<16xi32, #tpu.memory_space<vmem>>, vector<16xi32>,
    %dma_start3A_48 = arith.constant 0 : i32
    %dma_start3A_49 = tpu.memref_slice %arg3[%dma_start3A_48] : memref<2097152xf32, #tpu.memory_space<hbm>> -> memref<2097152xf32, #tpu.memory_space<hbm>>
    tpu.enqueue_indirect_dma source(%dma_start3A_49 : memref<2097152xf32, #tpu.memory_space<hbm>>) target(%arg15 : memref<16xf32, #tpu.memory_space<vmem>>) offsets(%arg12 : memref<16xi32, #tpu.memory_space<vmem>>) semaphore(%arg20 : memref<!tpu.dma_semaphore, #tpu.memory_space<semaphore_mem>>)
    %add3A_50 = arith.constant 32768 : i32
    %add3A_51 = vector.broadcast %add3A_50 : i32 to vector<16xi32>
    %add3A_52 = arith.addi %add3A_40, %add3A_51 : vector<16xi32>
    %swap3A_53 = arith.constant 0 : index
    %swap3A_54 = tpu.vector_load %arg13[%swap3A_53] {strides = array<i32>} : memref<16xi32, #tpu.memory_space<vmem>>, vector<16xi32>,
    %swap3A_55 = vector.shape_cast %swap3A_54 : vector<16xi32> to vector<16xi32>
    %swap3A_56 = vector.shape_cast %add3A_52 : vector<16xi32> to vector<16xi32>
    tpu.vector_store %arg13[%swap3A_53], %swap3A_56 {strides = array<i32>} : memref<16xi32, #tpu.memory_space<vmem>>, vector<16xi32>,
    %dma_start3A_57 = arith.constant 0 : i32
    %dma_start3A_58 = tpu.memref_slice %arg3[%dma_start3A_57] : memref<2097152xf32, #tpu.memory_space<hbm>> -> memref<2097152xf32, #tpu.memory_space<hbm>>
    tpu.enqueue_indirect_dma source(%dma_start3A_58 : memref<2097152xf32, #tpu.memory_space<hbm>>) target(%arg16 : memref<16xf32, #tpu.memory_space<vmem>>) offsets(%arg13 : memref<16xi32, #tpu.memory_space<vmem>>) semaphore(%arg20 : memref<!tpu.dma_semaphore, #tpu.memory_space<semaphore_mem>>)
    %add3A_59 = arith.constant 49152 : i32
    %add3A_60 = vector.broadcast %add3A_59 : i32 to vector<16xi32>
    %add3A_61 = arith.addi %add3A_40, %add3A_60 : vector<16xi32>
    %swap3A_62 = arith.constant 0 : index
    %swap3A_63 = tpu.vector_load %arg14[%swap3A_62] {strides = array<i32>} : memref<16xi32, #tpu.memory_space<vmem>>, vector<16xi32>,
    %swap3A_64 = vector.shape_cast %swap3A_63 : vector<16xi32> to vector<16xi32>
    %swap3A_65 = vector.shape_cast %add3A_61 : vector<16xi32> to vector<16xi32>
    tpu.vector_store %arg14[%swap3A_62], %swap3A_65 {strides = array<i32>} : memref<16xi32, #tpu.memory_space<vmem>>, vector<16xi32>,
    %dma_start3A_66 = arith.constant 0 : i32
    %dma_start3A_67 = tpu.memref_slice %arg3[%dma_start3A_66] : memref<2097152xf32, #tpu.memory_space<hbm>> -> memref<2097152xf32, #tpu.memory_space<hbm>>
    tpu.enqueue_indirect_dma source(%dma_start3A_67 : memref<2097152xf32, #tpu.memory_space<hbm>>) target(%arg17 : memref<16xf32, #tpu.memory_space<vmem>>) offsets(%arg14 : memref<16xi32, #tpu.memory_space<vmem>>) semaphore(%arg20 : memref<!tpu.dma_semaphore, #tpu.memory_space<semaphore_mem>>)
    %dma_wait3A_68 = arith.constant 0 : i32
    %dma_wait3A_69 = tpu.memref_slice %arg3[%dma_wait3A_68] : memref<2097152xf32, #tpu.memory_space<hbm>> -> memref<2097152xf32, #tpu.memory_space<hbm>>
    tpu.wait_indirect_dma semaphore(%arg20 : memref<!tpu.dma_semaphore, #tpu.memory_space<semaphore_mem>>) src(%dma_wait3A_69 : memref<2097152xf32, #tpu.memory_space<hbm>>) dst(%arg15 : memref<16xf32, #tpu.memory_space<vmem>>)
    %dma_wait3A_70 = arith.constant 0 : i32
    %dma_wait3A_71 = tpu.memref_slice %arg3[%dma_wait3A_70] : memref<2097152xf32, #tpu.memory_space<hbm>> -> memref<2097152xf32, #tpu.memory_space<hbm>>
    tpu.wait_indirect_dma semaphore(%arg20 : memref<!tpu.dma_semaphore, #tpu.memory_space<semaphore_mem>>) src(%dma_wait3A_71 : memref<2097152xf32, #tpu.memory_space<hbm>>) dst(%arg16 : memref<16xf32, #tpu.memory_space<vmem>>)
    %dma_wait3A_72 = arith.constant 0 : i32
    %dma_wait3A_73 = tpu.memref_slice %arg3[%dma_wait3A_72] : memref<2097152xf32, #tpu.memory_space<hbm>> -> memref<2097152xf32, #tpu.memory_space<hbm>>
    tpu.wait_indirect_dma semaphore(%arg20 : memref<!tpu.dma_semaphore, #tpu.memory_space<semaphore_mem>>) src(%dma_wait3A_73 : memref<2097152xf32, #tpu.memory_space<hbm>>) dst(%arg17 : memref<16xf32, #tpu.memory_space<vmem>>)
    %get3A_74 = arith.constant 0 : index
    %get3A_75 = tpu.vector_load %arg15[%get3A_74] {strides = array<i32>} : memref<16xf32, #tpu.memory_space<vmem>>, vector<16xf32>,
    %get3A_76 = vector.shape_cast %get3A_75 : vector<16xf32> to vector<16xf32>
    %get3A_77 = arith.constant 0 : index
    %get3A_78 = tpu.vector_load %arg16[%get3A_77] {strides = array<i32>} : memref<16xf32, #tpu.memory_space<vmem>>, vector<16xf32>,
    %get3A_79 = vector.shape_cast %get3A_78 : vector<16xf32> to vector<16xf32>
    %mul3A_80 = arith.constant 2.000000e+00 : f32
    %mul3A_81 = vector.broadcast %mul3A_80 : f32 to vector<16xf32>
    %mul3A_82 = arith.mulf %mul3A_81, %get3A_79 : vector<16xf32>
    %add3A_83 = arith.addf %get3A_76, %mul3A_82 : vector<16xf32>
    %get3A_84 = arith.constant 0 : index
    %get3A_85 = tpu.vector_load %arg17[%get3A_84] {strides = array<i32>} : memref<16xf32, #tpu.memory_space<vmem>>, vector<16xf32>,
    %get3A_86 = vector.shape_cast %get3A_85 : vector<16xf32> to vector<16xf32>
    %mul3A_87 = arith.constant 3.000000e+00 : f32
    %mul3A_88 = vector.broadcast %mul3A_87 : f32 to vector<16xf32>
    %mul3A_89 = arith.mulf %mul3A_88, %get3A_86 : vector<16xf32>
    %add3A_90 = arith.addf %add3A_83, %mul3A_89 : vector<16xf32>
    %convert_element_type3A = arith.fptosi %add3A_90 : vector<16xf32> to vector<16xi32>
    %mul3A_91 = arith.constant 16384 : i32
    %mul3A_92 = vector.broadcast %mul3A_91 : i32 to vector<16xi32>
    %mul3A_93 = arith.muli %convert_element_type3A, %mul3A_92 : vector<16xi32>
    %add3A_94 = arith.addi %mul3A_93, %get3A_24 : vector<16xi32>
    %swap3A_95 = arith.constant 0 : index
    %swap3A_96 = tpu.vector_load %arg10[%swap3A_95] {strides = array<i32>} : memref<16xi32, #tpu.memory_space<vmem>>, vector<16xi32>,
    %swap3A_97 = vector.shape_cast %swap3A_96 : vector<16xi32> to vector<16xi32>
    %swap3A_98 = vector.shape_cast %add3A_94 : vector<16xi32> to vector<16xi32>
    tpu.vector_store %arg10[%swap3A_95], %swap3A_98 {strides = array<i32>} : memref<16xi32, #tpu.memory_space<vmem>>, vector<16xi32>,
    %dma_start3A_99 = arith.constant 0 : i32
    %dma_start3A_100 = arith.constant 0 : i32
    %dma_start3A_101 = tpu.memref_slice %arg2[%dma_start3A_99, %dma_start3A_100] : memref<65536x128xf32, #tpu.memory_space<hbm>> -> memref<65536x128xf32, #tpu.memory_space<hbm>>
    tpu.enqueue_indirect_dma source(%dma_start3A_101 : memref<65536x128xf32, #tpu.memory_space<hbm>>) target(%arg18 : memref<16x128xf32, #tpu.memory_space<vmem>>) offsets(%arg10 : memref<16xi32, #tpu.memory_space<vmem>>) semaphore(%arg21 : memref<!tpu.dma_semaphore, #tpu.memory_space<semaphore_mem>>)
    %dma_wait3A_102 = arith.constant 0 : i32
    %dma_wait3A_103 = arith.constant 0 : i32
    %dma_wait3A_104 = tpu.memref_slice %arg2[%dma_wait3A_102, %dma_wait3A_103] : memref<65536x128xf32, #tpu.memory_space<hbm>> -> memref<65536x128xf32, #tpu.memory_space<hbm>>
    tpu.wait_indirect_dma semaphore(%arg21 : memref<!tpu.dma_semaphore, #tpu.memory_space<semaphore_mem>>) src(%dma_wait3A_104 : memref<65536x128xf32, #tpu.memory_space<hbm>>) dst(%arg19 : memref<16x128xf32, #tpu.memory_space<vmem>>)
    %dma_wait3A_105 = arith.constant 0 : i32
    %dma_wait3A_106 = arith.constant 0 : i32
    %dma_wait3A_107 = tpu.memref_slice %arg2[%dma_wait3A_105, %dma_wait3A_106] : memref<65536x128xf32, #tpu.memory_space<hbm>> -> memref<65536x128xf32, #tpu.memory_space<hbm>>
    tpu.wait_indirect_dma semaphore(%arg21 : memref<!tpu.dma_semaphore, #tpu.memory_space<semaphore_mem>>) src(%dma_wait3A_107 : memref<65536x128xf32, #tpu.memory_space<hbm>>) dst(%arg18 : memref<16x128xf32, #tpu.memory_space<vmem>>)
    %dma_start3A_108 = arith.constant 0 : i32
    %dma_start3A_109 = arith.constant 0 : i32
    %dma_start3A_110 = tpu.memref_slice %arg6[%add3A, %dma_start3A_108, %dma_start3A_109] : memref<32x16x128xf32, #tpu.memory_space<hbm>> -> memref<1x16x128xf32, #tpu.memory_space<hbm>>
    %dma_start3A_111 = tpu.memref_squeeze %dma_start3A_110 : memref<1x16x128xf32, #tpu.memory_space<hbm>> -> memref<16x128xf32, #tpu.memory_space<hbm>>
    %dma_start3A_112 = arith.constant 0 : i32
    %dma_start3A_113 = arith.constant 0 : i32
    %dma_start3A_114 = tpu.memref_slice %arg6[%add3A, %dma_start3A_112, %dma_start3A_113] : memref<32x16x128xf32, #tpu.memory_space<hbm>> -> memref<1x16x128xf32, #tpu.memory_space<hbm>>
    %dma_start3A_115 = tpu.memref_squeeze %dma_start3A_114 : memref<1x16x128xf32, #tpu.memory_space<hbm>> -> memref<16x128xf32, #tpu.memory_space<hbm>>
    tpu.enqueue_dma source(%arg19 : memref<16x128xf32, #tpu.memory_space<vmem>>) target(%dma_start3A_115 : memref<16x128xf32, #tpu.memory_space<hbm>>) target_semaphore(%arg22 : memref<!tpu.dma_semaphore, #tpu.memory_space<semaphore_mem>>)
    %dma_start3A_116 = arith.constant 0 : i32
    %dma_start3A_117 = arith.constant 0 : i32
    %dma_start3A_118 = tpu.memref_slice %arg7[%add3A, %dma_start3A_116, %dma_start3A_117] : memref<32x16x128xf32, #tpu.memory_space<hbm>> -> memref<1x16x128xf32, #tpu.memory_space<hbm>>
    %dma_start3A_119 = tpu.memref_squeeze %dma_start3A_118 : memref<1x16x128xf32, #tpu.memory_space<hbm>> -> memref<16x128xf32, #tpu.memory_space<hbm>>
    %dma_start3A_120 = arith.constant 0 : i32
    %dma_start3A_121 = arith.constant 0 : i32
    %dma_start3A_122 = tpu.memref_slice %arg7[%add3A, %dma_start3A_120, %dma_start3A_121] : memref<32x16x128xf32, #tpu.memory_space<hbm>> -> memref<1x16x128xf32, #tpu.memory_space<hbm>>
    %dma_start3A_123 = tpu.memref_squeeze %dma_start3A_122 : memref<1x16x128xf32, #tpu.memory_space<hbm>> -> memref<16x128xf32, #tpu.memory_space<hbm>>
    tpu.enqueue_dma source(%arg18 : memref<16x128xf32, #tpu.memory_space<vmem>>) target(%dma_start3A_123 : memref<16x128xf32, #tpu.memory_space<hbm>>) target_semaphore(%arg22 : memref<!tpu.dma_semaphore, #tpu.memory_space<semaphore_mem>>)
    %dma_wait3A_124 = arith.constant 0 : i32
    %dma_wait3A_125 = arith.constant 0 : i32
    %dma_wait3A_126 = tpu.memref_slice %arg6[%add3A, %dma_wait3A_124, %dma_wait3A_125] : memref<32x16x128xf32, #tpu.memory_space<hbm>> -> memref<1x16x128xf32, #tpu.memory_space<hbm>>
    %dma_wait3A_127 = tpu.memref_squeeze %dma_wait3A_126 : memref<1x16x128xf32, #tpu.memory_space<hbm>> -> memref<16x128xf32, #tpu.memory_space<hbm>>
    %dma_wait3A_128 = arith.constant 0 : i32
    %dma_wait3A_129 = arith.constant 0 : i32
    %dma_wait3A_130 = tpu.memref_slice %arg6[%add3A, %dma_wait3A_128, %dma_wait3A_129] : memref<32x16x128xf32, #tpu.memory_space<hbm>> -> memref<1x16x128xf32, #tpu.memory_space<hbm>>
    %dma_wait3A_131 = tpu.memref_squeeze %dma_wait3A_130 : memref<1x16x128xf32, #tpu.memory_space<hbm>> -> memref<16x128xf32, #tpu.memory_space<hbm>>
    tpu.wait_dma2 semaphore(%arg22 : memref<!tpu.dma_semaphore, #tpu.memory_space<semaphore_mem>>) src(%arg19 : memref<16x128xf32, #tpu.memory_space<vmem>>) dst(%dma_wait3A_131 : memref<16x128xf32, #tpu.memory_space<hbm>>)
    %dma_wait3A_132 = arith.constant 0 : i32
    %dma_wait3A_133 = arith.constant 0 : i32
    %dma_wait3A_134 = tpu.memref_slice %arg7[%add3A, %dma_wait3A_132, %dma_wait3A_133] : memref<32x16x128xf32, #tpu.memory_space<hbm>> -> memref<1x16x128xf32, #tpu.memory_space<hbm>>
    %dma_wait3A_135 = tpu.memref_squeeze %dma_wait3A_134 : memref<1x16x128xf32, #tpu.memory_space<hbm>> -> memref<16x128xf32, #tpu.memory_space<hbm>>
    %dma_wait3A_136 = arith.constant 0 : i32
    %dma_wait3A_137 = arith.constant 0 : i32
    %dma_wait3A_138 = tpu.memref_slice %arg7[%add3A, %dma_wait3A_136, %dma_wait3A_137] : memref<32x16x128xf32, #tpu.memory_space<hbm>> -> memref<1x16x128xf32, #tpu.memory_space<hbm>>
    %dma_wait3A_139 = tpu.memref_squeeze %dma_wait3A_138 : memref<1x16x128xf32, #tpu.memory_space<hbm>> -> memref<16x128xf32, #tpu.memory_space<hbm>>
    tpu.wait_dma2 semaphore(%arg22 : memref<!tpu.dma_semaphore, #tpu.memory_space<semaphore_mem>>) src(%arg18 : memref<16x128xf32, #tpu.memory_space<vmem>>) dst(%dma_wait3A_139 : memref<16x128xf32, #tpu.memory_space<hbm>>)
    return
  }
}

module attributes {stable_mosaic.version = 14 : i64} {
  func.func @_tc_body(%arg0: i32, %arg1: memref<32x16x128xf32, #tpu.memory_space<vmem>>, %arg2: memref<32x16x128xf32, #tpu.memory_space<vmem>>, %arg3: memref<32x4x2048xf32, #tpu.memory_space<vmem>>, %arg4: memref<4x2048x128xf32, #tpu.memory_space<vmem>>, %arg5: memref<1x1xf32, #tpu.memory_space<smem>>, %arg6: memref<32x64xf32, #tpu.memory_space<vmem>>) attributes {dimension_semantics = [#tpu.dimension_semantics<arbitrary>], iteration_bounds = array<i64: 8>, scalar_prefetch = 0 : i64, scratch_operands = 1 : i64, tpu.core_type = #tpu.core_type<tc>, window_params = [{pipeline_mode = #tpu.pipeline_mode<synchronous>, transform_indices = @transform_0, window_bounds = array<i64: 32, 16, 128>}, {pipeline_mode = #tpu.pipeline_mode<synchronous>, transform_indices = @transform_1, window_bounds = array<i64: 32, 16, 128>}, {transform_indices = @transform_2, window_bounds = array<i64: 32, 4, 2048>}, {transform_indices = @transform_3, window_bounds = array<i64: 4, 2048, 128>}, {transform_indices = @transform_4, window_bounds = array<i64: 1, 1>}]} {
    %eq3A = arith.constant 0 : i32
    %eq3A_0 = arith.cmpi eq, %arg0, %eq3A : i32
    %convert_element_type3A = arith.extui %eq3A_0 : i1 to i32
    %cond3A = arith.constant 0 : i32
    %cond3A_1 = arith.cmpi ne, %convert_element_type3A, %cond3A : i32
    scf.if %cond3A_1 {
      %broadcast_in_dim3A = arith.constant 0.000000e+00 : f32
      %broadcast_in_dim3A_55 = vector.broadcast %broadcast_in_dim3A : f32 to vector<32x64xf32>
      %swap3A_56 = arith.constant 0 : index
      %swap3A_57 = arith.constant 0 : index
      %swap3A_58 = vector.load %arg6[%swap3A_56, %swap3A_57] : memref<32x64xf32, #tpu.memory_space<vmem>>, vector<32x64xf32>
      tpu.vector_store %arg6[%swap3A_56, %swap3A_57], %broadcast_in_dim3A_55 {strides = array<i32>} : memref<32x64xf32, #tpu.memory_space<vmem>>, vector<32x64xf32>,
    } else {
    }
    %get3A = arith.constant 0 : index
    %get3A_2 = arith.constant 0 : index
    %get3A_3 = arith.constant 0 : index
    %get3A_4 = vector.load %arg3[%get3A, %get3A_2, %get3A_3] : memref<32x4x2048xf32, #tpu.memory_space<vmem>>, vector<32x4x2048xf32>
    %slice3A = vector.extract_strided_slice %get3A_4 {offsets = [0, 0, 0], sizes = [32, 1, 2048], strides = [1, 1, 1]} : vector<32x4x2048xf32> to vector<32x1x2048xf32>
    %squeeze3A = vector.shape_cast %slice3A : vector<32x1x2048xf32> to vector<32x2048xf32>
    %get3A_5 = arith.constant 0 : index
    %get3A_6 = arith.constant 0 : index
    %get3A_7 = arith.constant 0 : index
    %get3A_8 = vector.load %arg4[%get3A_5, %get3A_6, %get3A_7] : memref<4x2048x128xf32, #tpu.memory_space<vmem>>, vector<1x2048x128xf32>
    %get3A_9 = vector.shape_cast %get3A_8 : vector<1x2048x128xf32> to vector<2048x128xf32>
    %slice3A_10 = vector.extract_strided_slice %get3A_9 {offsets = [0, 0], sizes = [2048, 64], strides = [1, 1]} : vector<2048x128xf32> to vector<2048x64xf32>
    %dot_general3A = arith.constant dense<0.000000e+00> : vector<32x64xf32>
    %dot_general3A_11 = tpu.matmul %squeeze3A, %slice3A_10, %dot_general3A {dimension_numbers = #tpu.dot_dimension_numbers<[1], [0], [0], [1], [0, 0, 1, 1], [], []>, transpose_lhs_hint = false} : vector<32x2048xf32>, vector<2048x64xf32>, vector<32x64xf32> -> vector<32x64xf32>
    %slice3A_12 = vector.extract_strided_slice %get3A_4 {offsets = [0, 1, 0], sizes = [32, 1, 2048], strides = [1, 1, 1]} : vector<32x4x2048xf32> to vector<32x1x2048xf32>
    %squeeze3A_13 = vector.shape_cast %slice3A_12 : vector<32x1x2048xf32> to vector<32x2048xf32>
    %get3A_14 = arith.constant 1 : index
    %get3A_15 = arith.constant 0 : index
    %get3A_16 = arith.constant 0 : index
    %get3A_17 = vector.load %arg4[%get3A_14, %get3A_15, %get3A_16] : memref<4x2048x128xf32, #tpu.memory_space<vmem>>, vector<1x2048x128xf32>
    %get3A_18 = vector.shape_cast %get3A_17 : vector<1x2048x128xf32> to vector<2048x128xf32>
    %slice3A_19 = vector.extract_strided_slice %get3A_18 {offsets = [0, 0], sizes = [2048, 64], strides = [1, 1]} : vector<2048x128xf32> to vector<2048x64xf32>
    %dot_general3A_20 = arith.constant dense<0.000000e+00> : vector<32x64xf32>
    %dot_general3A_21 = tpu.matmul %squeeze3A_13, %slice3A_19, %dot_general3A_20 {dimension_numbers = #tpu.dot_dimension_numbers<[1], [0], [0], [1], [0, 0, 1, 1], [], []>, transpose_lhs_hint = false} : vector<32x2048xf32>, vector<2048x64xf32>, vector<32x64xf32> -> vector<32x64xf32>
    %add3A = arith.addf %dot_general3A_11, %dot_general3A_21 : vector<32x64xf32>
    %slice3A_22 = vector.extract_strided_slice %get3A_4 {offsets = [0, 2, 0], sizes = [32, 1, 2048], strides = [1, 1, 1]} : vector<32x4x2048xf32> to vector<32x1x2048xf32>
    %squeeze3A_23 = vector.shape_cast %slice3A_22 : vector<32x1x2048xf32> to vector<32x2048xf32>
    %get3A_24 = arith.constant 2 : index
    %get3A_25 = arith.constant 0 : index
    %get3A_26 = arith.constant 0 : index
    %get3A_27 = vector.load %arg4[%get3A_24, %get3A_25, %get3A_26] : memref<4x2048x128xf32, #tpu.memory_space<vmem>>, vector<1x2048x128xf32>
    %get3A_28 = vector.shape_cast %get3A_27 : vector<1x2048x128xf32> to vector<2048x128xf32>
    %slice3A_29 = vector.extract_strided_slice %get3A_28 {offsets = [0, 0], sizes = [2048, 64], strides = [1, 1]} : vector<2048x128xf32> to vector<2048x64xf32>
    %dot_general3A_30 = arith.constant dense<0.000000e+00> : vector<32x64xf32>
    %dot_general3A_31 = tpu.matmul %squeeze3A_23, %slice3A_29, %dot_general3A_30 {dimension_numbers = #tpu.dot_dimension_numbers<[1], [0], [0], [1], [0, 0, 1, 1], [], []>, transpose_lhs_hint = false} : vector<32x2048xf32>, vector<2048x64xf32>, vector<32x64xf32> -> vector<32x64xf32>
    %add3A_32 = arith.addf %add3A, %dot_general3A_31 : vector<32x64xf32>
    %slice3A_33 = vector.extract_strided_slice %get3A_4 {offsets = [0, 3, 0], sizes = [32, 1, 2048], strides = [1, 1, 1]} : vector<32x4x2048xf32> to vector<32x1x2048xf32>
    %squeeze3A_34 = vector.shape_cast %slice3A_33 : vector<32x1x2048xf32> to vector<32x2048xf32>
    %get3A_35 = arith.constant 3 : index
    %get3A_36 = arith.constant 0 : index
    %get3A_37 = arith.constant 0 : index
    %get3A_38 = vector.load %arg4[%get3A_35, %get3A_36, %get3A_37] : memref<4x2048x128xf32, #tpu.memory_space<vmem>>, vector<1x2048x128xf32>
    %get3A_39 = vector.shape_cast %get3A_38 : vector<1x2048x128xf32> to vector<2048x128xf32>
    %slice3A_40 = vector.extract_strided_slice %get3A_39 {offsets = [0, 0], sizes = [2048, 64], strides = [1, 1]} : vector<2048x128xf32> to vector<2048x64xf32>
    %dot_general3A_41 = arith.constant dense<0.000000e+00> : vector<32x64xf32>
    %dot_general3A_42 = tpu.matmul %squeeze3A_34, %slice3A_40, %dot_general3A_41 {dimension_numbers = #tpu.dot_dimension_numbers<[1], [0], [0], [1], [0, 0, 1, 1], [], []>, transpose_lhs_hint = false} : vector<32x2048xf32>, vector<2048x64xf32>, vector<32x64xf32> -> vector<32x64xf32>
    %add3A_43 = arith.addf %add3A_32, %dot_general3A_42 : vector<32x64xf32>
    %get3A_44 = arith.constant 0 : index
    %get3A_45 = arith.constant 0 : index
    %get3A_46 = vector.load %arg6[%get3A_44, %get3A_45] : memref<32x64xf32, #tpu.memory_space<vmem>>, vector<32x64xf32>
    %add3A_47 = arith.addf %get3A_46, %add3A_43 : vector<32x64xf32>
    %swap3A = arith.constant 0 : index
    %swap3A_48 = arith.constant 0 : index
    %swap3A_49 = vector.load %arg6[%swap3A, %swap3A_48] : memref<32x64xf32, #tpu.memory_space<vmem>>, vector<32x64xf32>
    tpu.vector_store %arg6[%swap3A, %swap3A_48], %add3A_47 {strides = array<i32>} : memref<32x64xf32, #tpu.memory_space<vmem>>, vector<32x64xf32>,
    %eq3A_50 = arith.constant 7 : i32
    %eq3A_51 = arith.cmpi eq, %arg0, %eq3A_50 : i32
    %convert_element_type3A_52 = arith.extui %eq3A_51 : i1 to i32
    %cond3A_53 = arith.constant 0 : i32
    %cond3A_54 = arith.cmpi ne, %convert_element_type3A_52, %cond3A_53 : i32
    scf.if %cond3A_54 {
      %get3A_55 = arith.constant 0 : index
      %get3A_56 = arith.constant 0 : index
      %get3A_57 = vector.load %arg6[%get3A_55, %get3A_56] : memref<32x64xf32, #tpu.memory_space<vmem>>, vector<32x64xf32>
      %get3A_58 = arith.constant 0 : index
      %get3A_59 = arith.constant 0 : index
      %get3A_60 = arith.constant 0 : index
      %get3A_61 = vector.load %arg1[%get3A_58, %get3A_59, %get3A_60] : memref<32x16x128xf32, #tpu.memory_space<vmem>>, vector<32x16x64xf32>
      %get3A_62 = arith.constant 0 : index
      %get3A_63 = arith.constant 0 : index
      %get3A_64 = arith.constant 0 : index
      %get3A_65 = vector.load %arg2[%get3A_62, %get3A_63, %get3A_64] : memref<32x16x128xf32, #tpu.memory_space<vmem>>, vector<32x16x64xf32>
      %broadcast_in_dim3A = vector.shape_cast %get3A_57 : vector<32x64xf32> to vector<32x1x64xf32>
      %add3A_66 = vector.broadcast %broadcast_in_dim3A : vector<32x1x64xf32> to vector<32x16x64xf32>
      %add3A_67 = arith.addf %add3A_66, %get3A_61 : vector<32x16x64xf32>
      %sub3A = arith.subf %add3A_67, %get3A_65 : vector<32x16x64xf32>
      %mul3A = arith.mulf %get3A_57, %get3A_57 : vector<32x64xf32>
      %reduce_sum3A = arith.constant dense<0.000000e+00> : vector<32xf32>
      %reduce_sum3A_68 = vector.multi_reduction <add>, %mul3A, %reduce_sum3A [1] : vector<32x64xf32> to vector<32xf32>
      %sqrt3A = math.sqrt %reduce_sum3A_68 : vector<32xf32>
      %max3A = arith.constant 9.99999996E-13 : f32
      %max3A_69 = vector.broadcast %max3A : f32 to vector<32xf32>
      %max3A_70 = arith.maximumf %sqrt3A, %max3A_69 : vector<32xf32>
      %mul3A_71 = arith.mulf %sub3A, %sub3A : vector<32x16x64xf32>
      %reduce_sum3A_72 = arith.constant dense<0.000000e+00> : vector<32x16xf32>
      %reduce_sum3A_73 = vector.multi_reduction <add>, %mul3A_71, %reduce_sum3A_72 [2] : vector<32x16x64xf32> to vector<32x16xf32>
      %sqrt3A_74 = math.sqrt %reduce_sum3A_73 : vector<32x16xf32>
      %max3A_75 = arith.constant 9.99999996E-13 : f32
      %max3A_76 = vector.broadcast %max3A_75 : f32 to vector<32x16xf32>
      %max3A_77 = arith.maximumf %sqrt3A_74, %max3A_76 : vector<32x16xf32>
      %broadcast_in_dim3A_78 = vector.shape_cast %get3A_57 : vector<32x64xf32> to vector<32x1x64xf32>
      %mul3A_79 = vector.broadcast %broadcast_in_dim3A_78 : vector<32x1x64xf32> to vector<32x16x64xf32>
      %mul3A_80 = arith.mulf %mul3A_79, %sub3A : vector<32x16x64xf32>
      %reduce_sum3A_81 = arith.constant dense<0.000000e+00> : vector<32x16xf32>
      %reduce_sum3A_82 = vector.multi_reduction <add>, %mul3A_80, %reduce_sum3A_81 [2] : vector<32x16x64xf32> to vector<32x16xf32>
      %broadcast_in_dim3A_83 = vector.shape_cast %max3A_70 : vector<32xf32> to vector<32x1xf32>
      %mul3A_84 = vector.broadcast %broadcast_in_dim3A_83 : vector<32x1xf32> to vector<32x16xf32>
      %mul3A_85 = arith.mulf %mul3A_84, %max3A_77 : vector<32x16xf32>
      %div3A = arith.divf %reduce_sum3A_82, %mul3A_85 : vector<32x16xf32>
      %min3A = arith.constant 9.900000e-01 : f32
      %min3A_86 = vector.broadcast %min3A : f32 to vector<32x16xf32>
      %min3A_87 = arith.minimumf %div3A, %min3A_86 : vector<32x16xf32>
      %sub3A_88 = arith.constant 1.000000e+00 : f32
      %sub3A_89 = vector.broadcast %sub3A_88 : f32 to vector<32x16xf32>
      %sub3A_90 = arith.subf %sub3A_89, %min3A_87 : vector<32x16xf32>
      %log3A = math.log %sub3A_90 : vector<32x16xf32>
      %neg3A = arith.constant 0.000000e+00 : f32
      %neg3A_91 = vector.broadcast %neg3A : f32 to vector<32x16xf32>
      %neg3A_92 = arith.subf %neg3A_91, %log3A : vector<32x16xf32>
      %iota3A = tpu.iota {dimensions = array<i32: 1>} : vector<32x16xi32>
      %lt3A = arith.constant 5 : i32
      %lt3A_93 = vector.broadcast %lt3A : i32 to vector<32x16xi32>
      %lt3A_94 = arith.cmpi slt, %iota3A, %lt3A_93 : vector<32x16xi32>
      %jit3A = arith.constant 0.000000e+00 : f32
      %broadcast_in_dim3A_95 = vector.broadcast %jit3A : f32 to vector<32x16xf32>
      %select_n3A = arith.select %lt3A_94, %neg3A_92, %broadcast_in_dim3A_95 : vector<32x16xi1>, vector<32x16xf32>
      %reduce_sum3A_96 = vector.shape_cast %select_n3A : vector<32x16xf32> to vector<1x32x16xf32>
      %reduce_sum3A_97 = arith.constant dense<0.000000e+00> : vector<1xf32>
      %reduce_sum3A_98 = vector.multi_reduction <add>, %reduce_sum3A_96, %reduce_sum3A_97 [1, 2] : vector<1x32x16xf32> to vector<1xf32>
      %reduce_sum3A_99 = vector.shape_cast %reduce_sum3A_98 : vector<1xf32> to vector<1x1x1xf32>
      %reduce_sum3A_100 = vector.extract %reduce_sum3A_99[0, 0, 0] : f32 from vector<1x1x1xf32>
      %div3A_101 = arith.constant 1.600000e+02 : f32
      %div3A_102 = arith.divf %reduce_sum3A_100, %div3A_101 : f32
      %swap3A_103 = arith.constant 0 : index
      %swap3A_104 = arith.constant 0 : index
      %swap3A_105 = memref.load %arg5[%swap3A_103, %swap3A_104] : memref<1x1xf32, #tpu.memory_space<smem>>
      memref.store %div3A_102, %arg5[%swap3A_103, %swap3A_104] : memref<1x1xf32, #tpu.memory_space<smem>>
    } else {
    }
    return
  }
  func.func @transform_0(%arg0: i32) -> (i32, i32, i32) {
    %c0_i32 = arith.constant 0 : i32
    %c0_i32_0 = arith.constant 0 : i32
    %c0_i32_1 = arith.constant 0 : i32
    %c0_i32_2 = arith.constant 0 : i32
    return %c0_i32, %c0_i32_0, %c0_i32_1 : i32, i32, i32
  }
  func.func @transform_1(%arg0: i32) -> (i32, i32, i32) {
    %c0_i32 = arith.constant 0 : i32
    %c0_i32_0 = arith.constant 0 : i32
    %c0_i32_1 = arith.constant 0 : i32
    %c0_i32_2 = arith.constant 0 : i32
    return %c0_i32, %c0_i32_0, %c0_i32_1 : i32, i32, i32
  }
  func.func @transform_2(%arg0: i32) -> (i32, i32, i32) {
    %c0_i32 = arith.constant 0 : i32
    %c0_i32_0 = arith.constant 0 : i32
    %c0_i32_1 = arith.constant 0 : i32
    return %c0_i32, %c0_i32_0, %arg0 : i32, i32, i32
  }
  func.func @transform_3(%arg0: i32) -> (i32, i32, i32) {
    %c0_i32 = arith.constant 0 : i32
    %c0_i32_0 = arith.constant 0 : i32
    %c0_i32_1 = arith.constant 0 : i32
    return %c0_i32, %arg0, %c0_i32_0 : i32, i32, i32
  }
  func.func @transform_4(%arg0: i32) -> (i32, i32) {
    %c0_i32 = arith.constant 0 : i32
    %c0_i32_0 = arith.constant 0 : i32
    %c0_i32_1 = arith.constant 0 : i32
    return %c0_i32, %c0_i32_0 : i32, i32
  }
}

</mosaic_0001>

<sc_bundles>
// kernel: kernel.4.cloned.1.call-start
scs
__scs_entry_jumppad:
0x0: {  	(pc) =	sbr.rel $0x88, $3  }
0x1: {  	(tag) =	ssettag $0x0;
	lr =	simm.s32 $0x1  }
0x2: {  	[smem:$0x3F9D] =	sst lr;
	_ =	strace $0xD0000000  }
0x3: {  	_ = 	snop  }
0x4: {  	_ = 	snop  }
0x5: {  	_ = 	snop  }
0x6: {  	_ = 	snop  }
0x7: {  	_ = 	snop  }
__scs_overlays_trampoline_lowered:
0x8: {  	[smem:$0x3FAC] =	sst s0  }
0x9: {  	[smem:$0x3FAD] =	sst s1  }
0xa: {  	[smem:$0x3FAE] =	sst s2  }
0xb: {  	[smem:$0x3FAF] =	sst s3  }
0xc: {  	[smem:$0x3FB0] =	sst s4  }
0xd: {  	[smem:$0x3FB1] =	sst s5  }
0xe: {  	[smem:$0x3FB2] =	sst s6  }
0xf: {  	[smem:$0x3FB3] =	sst s7  }
0x10: {  	[smem:$0x3FB4] =	sst s8  }
0x11: {  	[smem:$0x3FB5] =	sst s9;
	s0 =	simm.s32 @!p0 $0x0  }
0x12: {  	s1 =	sld [smem:$0x3F9B];
	s0 =	simm.s32 @p0 $0x1  }
0x13: {  	[smem:$0x3FB6] =	sst s0;
	s0 =	simm.s32 @!p1 $0x0  }
0x14: {  	s2 =	sld [smem:$0x3F9A];
	s0 =	simm.s32 @p1 $0x1  }
0x15: {  	[smem:$0x3FB7] =	sst s0;
	s0 =	simm.s32 @!p2 $0x0  }
0x16: {  	s3 =	sld [smem:$0x3FDB];
	s0 =	simm.s32 @p2 $0x1  }
0x17: {  	s4 =	simm.s32 $0x1BF5;
	[smem:$0x3FB9] =	sst s0  }
0x18: {  	s0 =	sld [smem:$0x3F9C];
	_ =	swait.ge [sflag:s4], $0x0  }
0x19: {  	s7 =	sld [smem:$0x3F9D]  }
0x1a: {  	s8 =	sadd.s32 $0xFFFFE003, lr  }
0x1b: {  	s9 =	sadd.s32 $0xFFFFFEF7, lr;
	s5 =	simm.s32 $0xFFFFFFFF;
	p2 =	slt.u32 s8, $0xFFFFF086  }
0x1c: {  	p1 =	slt.u32 s9, $0xF7A;
	s5 =	simm.s32 @!p2 $0x0  }
0x1d: {  	s5 =	simm.s32 @p1 $0x1;
	p0 =	seq.s32 s7, s2  }
0x1e: {  	s7 =	smul.u32 @!p0 $0xF7A, s2;
	p2 =	seq.s32 @!p0 s5, $0x0  }
0x1f: {  	s9 =	smul.u32 $0xF7A, s1;
	s8 =	simm.s32 @!p0 $0x1BF5;
	p2 =	por !p2, p0  }
0x20: {  	[sflag:s8] =	ssyncset.s32 @!p0 $0xFFFFF086;
	s6 =	sadd.s32 @!p0 s3, s7;
	s7 =	simm.s32 @!p0 $0x108  }
0x21: {  	s3 =	sadd.s32 s3, s9;
	s6 =	sadd.s32 @!p0 $0x88, s6;
	s7 =	simm.s32 @p2 $0x1082  }
0x22: {  	[simem:s7], [sflag:s8] =	dma.local @!p0 [hbm:s6], $0xF7A  }
0x23: {  	s9 =	sor.u32 $0xD0000000, s2;
	s6 =	simm.s32 $0x108;
	_ =	swait.ge @!p0 [sflag:s8], $0x0  }
0x24: {  	s3 =	sadd.s32 $0x88, s3;
	s6 =	simm.s32 @!p1 $0x1082;
	[sflag:s4] =	ssyncset.s32 $0xFFFFF086  }
0x25: {  	[simem:s6], [sflag:s4] =	dma.local [hbm:s3], $0xF7A  }
0x26: {  	[smem:$0x3F9D] =	sst s1;
	(tag) =	ssettag s2;
	_ =	strace s9  }
0x27: {  	s1 =	sld [smem:$0x3FAD]  }
0x28: {  	s2 =	sld [smem:$0x3FAE]  }
0x29: {  	s4 =	sld [smem:$0x3FB0]  }
0x2a: {  	p0 =	seq.s32 s5, $0x0;
	s5 =	sld [smem:$0x3FB1]  }
0x2b: {  	s6 =	sld [smem:$0x3FB2]  }
0x2c: {  	s7 =	sld [smem:$0x3FB3]  }
0x2d: {  	s3 =	simm.s32 $0x108;
	s8 =	sld [smem:$0x3FB4]  }
0x2e: {  	s3 =	simm.s32 @!p0 $0x1082;
	s9 =	sld [smem:$0x3FB5]  }
0x2f: {  	lr =	sadd.s32 s0, s3;
	s0 =	sld [smem:$0x3FAC]  }
0x30: {  	s3 =	sld [smem:$0x3FAF]  }
0x31: {  	[smem:$0x3FB8] =	sst s10  }
0x32: {  	s10 =	sld [smem:$0x3FB6];
	_ =	sdelay $0x3  }
0x33: {  	p0 =	seq.s32 s10, $0x1;
	s10 =	sld [smem:$0x3FB8];
	_ =	sdelay $0x3  }
0x34: {  	[smem:$0x3FB8] =	sst s10  }
0x35: {  	s10 =	sld [smem:$0x3FB7];
	_ =	sdelay $0x3  }
0x36: {  	p1 =	seq.s32 s10, $0x1;
	s10 =	sld [smem:$0x3FB8];
	_ =	sdelay $0x3  }
0x37: {  	[smem:$0x3FB8] =	sst s10  }
0x38: {  	s10 =	sld [smem:$0x3FB9]  }
0x39: {  	_ = 	snop;
	(pc) =	sbr.ind lr, $3  }
0x3a: {  	_ = 	snop  }
0x3b: {  	_ = 	snop  }
0x3c: {  	p2 =	seq.s32 s10, $0x1;
	s10 =	sld [smem:$0x3FB8]  }
0x3d: {  	_ =	shalt  }
0x3e: {  	_ =	shalt  }
0x3f: {  	_ =	shalt  }
0x40: {  	_ =	shalt  }
0x41: {  	_ =	shalt  }
0x42: {  	_ =	shalt  }
0x43: {  	_ =	shalt  }
0x44: {  	_ =	shalt  }
0x45: {  	_ =	shalt  }
0x46: {  	_ =	shalt  }
0x47: {  	_ =	shalt  }
0x48: {  	_ =	shalt  }
0x49: {  	_ =	shalt  }
0x4a: {  	_ =	shalt  }
0x4b: {  	_ =	shalt  }
0x4c: {  	_ =	shalt  }
0x4d: {  	_ =	shalt  }
0x4e: {  	_ =	shalt  }
0x4f: {  	_ =	shalt  }
0x50: {  	_ =	shalt  }
0x51: {  	_ =	shalt  }
0x52: {  	_ =	shalt  }
0x53: {  	_ =	shalt  }
0x54: {  	_ =	shalt  }
0x55: {  	_ =	shalt  }
0x56: {  	_ =	shalt  }
0x57: {  	_ =	shalt  }
0x58: {  	_ =	shalt  }
0x59: {  	_ =	shalt  }
0x5a: {  	_ =	shalt  }
0x5b: {  	_ =	shalt  }
0x5c: {  	_ =	shalt  }
0x5d: {  	_ =	shalt  }
0x5e: {  	_ =	shalt  }
0x5f: {  	_ =	shalt  }
0x60: {  	_ =	shalt  }
0x61: {  	_ =	shalt  }
0x62: {  	_ =	shalt  }
0x63: {  	_ =	shalt  }
0x64: {  	_ =	shalt  }
0x65: {  	_ =	shalt  }
0x66: {  	_ =	shalt  }
0x67: {  	_ =	shalt  }
0x68: {  	_ =	shalt  }
0x69: {  	_ =	shalt  }
0x6a: {  	_ =	shalt  }
0x6b: {  	_ =	shalt  }
0x6c: {  	_ =	shalt  }
0x6d: {  	_ =	shalt  }
0x6e: {  	_ =	shalt  }
0x6f: {  	_ =	shalt  }
0x70: {  	_ =	shalt  }
0x71: {  	_ =	shalt  }
0x72: {  	_ =	shalt  }
0x73: {  	_ =	shalt  }
0x74: {  	_ =	shalt  }
0x75: {  	_ =	shalt  }
0x76: {  	_ =	shalt  }
0x77: {  	_ =	shalt  }
0x78: {  	_ =	shalt  }
0x79: {  	_ =	shalt  }
0x7a: {  	_ =	shalt  }
0x7b: {  	_ =	shalt  }
0x7c: {  	_ =	shalt  }
0x7d: {  	_ =	shalt  }
0x7e: {  	_ =	shalt  }
0x7f: {  	_ =	shalt  }
0x80: {  	_ =	shalt  }
0x81: {  	_ =	shalt  }
0x82: {  	_ =	shalt  }
0x83: {  	_ =	shalt  }
0x84: {  	_ =	shalt  }
0x85: {  	_ =	shalt  }
0x86: {  	_ =	shalt  }
0x87: {  	_ =	shalt  }
.Lfunc_end0:
.L_simem_size_0:
called_computation_lowered:
.L_overlay_start_0:
0x88: {  	s2 =	sld [smem:$0x3FD9]  }
0x89: {  	s3 =	sld [smem:$0x3FFE];
	_ =	sdelay $0x1  }
0x8a: {  	s1 =	srdreg.scid  }
0x8b: {  	s0 =	sand.u32 $0x1, s1  }
0x8c: {  	s16 =	sshll.u32 s0, $0xA;
	s2 =	sadd.s32 s3, s2  }
0x8d: {  	s2 =	sadd.s32 s2, s16  }
0x8e: {  	[smem:$0x3FC4] =	sst s2  }
0x8f: {  	_ = 	snop  }
0x90: {  	(tm) =	ssettm $0x1  }
0x91: {  	s17 =	sld [smem:$0x3FFB];
	_ =	sdelay $0x3  }
0x92: {  	_ =	strace s17  }
0x93: {  	s2 =	sld [smem:$0x3FFC];
	_ =	sdelay $0x3  }
0x94: {  	_ =	strace s2  }
0x95: {  	s2 =	sld [smem:$0x3FFD];
	_ =	sdelay $0x3  }
0x96: {  	_ =	strace s2  }
0x97: {  	_ =	strace $0x8FFFFFFF  }
0x98: {  	s18 =	sld [smem:$0x3FDB];
	_ =	sdelay $0x1  }
0x99: {  	s19 =	simm.s32 $_scs_section_size  }
0x9a: {  	s4 =	simm.s32 $_size__tile_overlayer_lowered;
	s5 =	simm.s32 $_tile_overlayer_lowered  }
0x9b: {  	s22 =	simm.s32 $0x1BFF;
	s21 =	sshll.u32 s5, $0x1;
	s2 =	sadd.s32 s19, s18  }
0x9c: {  	s6 =	simm.s32 $0x0;
	s20 =	sshll.u32 s4, $0x1;
	s4 =	sadd.s32 s21, s2  }
0x9d: {  	[timem:s6], [sflag:s22] =	dma.local [hbm:s4], s20  }
0x9e: {  	_ =	swait.ge [sflag:s22], s20  }
0x9f: {  	s3 =	ssub.s32 $0x0, s20;
	[sflag:s22] =	ssyncset.done $0x0  }
0xa0: {  	[sflag:s22] =	ssyncadd.s32 s3;
	_ =	sdelay $0x1  }
0xa1: {  	s23 =	simm.s32 $0x1B8B  }
0xa2: {  	_ =	swait.ge [sflag:s23], $0x1  }
0xa3: {  	[sflag:s23] =	ssyncset.done $0x0  }
0xa4: {  	s25 =	simm.s32 $0x1B8E;
	s24 =	sld [smem:$0x3FFE];
	[sflag:s23] =	ssyncadd.s32 $0xFFFFFFFF  }
0xa5: {  	s26 =	simm.s32 $execute0_lowered;
	[smem:$0x3FD2] =	sst s25  }
0xa6: {  	s4 =	sshll.u32 s26, $0x1;
	_ =	strace $0x80000046;
	[dreg:$0x1] =	wrdreg $0xFFFFFFFF  }
0xa7: {  	s28 =	simm.s32 $_size_execute0_lowered;
	s2 =	sadd.s32 s2, s4;
	[dreg:$0x0] =	wrdreg $0x0  }
0xa8: {  	s4 =	sshll.u32 s28, $0x1;
	[dreg:$0x2] =	wrdreg s2  }
0xa9: {  	[dreg:$0x3] =	wrdreg s4  }
0xaa: {  	[dreg:$0x4] =	wrdreg $0xC0  }
0xab: {  	_ =	task [dreg:s6], $0x5FFFF  }
0xac: {  	[dreg:$0x1] =	wrdreg $0xFFFFFFFF  }
0xad: {  	[dreg:$0x0] =	wrdreg $0x60  }
0xae: {  	[dreg:$0x2] =	wrdreg s24  }
0xaf: {  	[dreg:$0x3] =	wrdreg $0x9  }
0xb0: {  	_ =	task.clear_ibuf [dreg:s6], $0x4FFFF;
	_ =	strace $0x90000046  }
0xb1: {  	s29 =	simm.s32 $0x9;
	_ =	strace $0x80000048  }
0xb2: {  	_ =	swait.ge [sflag:s29], $0x1  }
0xb3: {  	[sflag:s29] =	ssyncadd.s32 $0xFFFFFFFF  }
0xb4: {  	_ =	strace $0x90000048  }
0xb5: {  	_ =	sfence  }
0xb6: {  	s30 =	sld [smem:$0x0];
	_ =	sdelay $0x2  }
0xb7: {  	s31 =	sshll.u32 s1, $0xD;
	s1 =	sshrl.u32 s1, $0x2  }
0xb8: {  	s3 =	sand.u32 $0x4000, s31;
	s1 =	sadd.s32 s1, s30  }
0xb9: {  	s0 =	sor.u32 s3, s0;
	s1 =	sshll.u32 s1, $0x11  }
0xba: {  	s0 =	sor.u32 s1, s0  }
0xbb: {  	s0 =	sadd.s32 $0x8F2B, s0  }
0xbc: {  	[sflag:s0] =	ssyncadd.remote.s32 $0x1  }
0xbd: {  	_ =	sfence.sel $0xFFFF  }
0xbe: {  	[dreg:$0x0] =	wrdreg $0xFFFFFFFF;
	(pc) =	sbr.abs _section_cstart, $3  }
0xbf: {  	[dreg:$0x1] =	wrdreg $0xFFFFFFFF  }
0xc0: {  	_ =	task.clear_ibuf [dreg:s6], $0x2FFFF;
	_ =	strace $0x9FFFFFFF  }
0xc1: {  	(tm) =	ssettm $0x7FFFFFFF  }
tec
execute0_lowered:
.L_overlay_start_1:
0x0: {  	(tag) =	ssettag $0x1  }
0x1: {  	s1 =	srdreg.scid;
	s0 =	stileid.u32  }
0x2: {  	s23 =	sand.u32 $0x1, s1;
	s30 =	sshll.u32 s0, $0x1  }
0x3: {  	s24 =	sor.u32 s23, s30  }
0x4: {  	s22 =	rddreg [dreg:$0x0];
	s2 =	simm.s32 $0x0;
	s3 =	sshll.u32 s24, $0x4  }
0x5: {  	[smem:$0x7FF] =	sst s2;
	s4 =	sadd.s32 s3, s22  }
0x6: {  	s1 =	rddreg [dreg:$0x1];
	_ =	strace $0x80000047;
	s3 =	sadd.s32 $0x1600, s4  }
0x7: {  	[tilespmem:s2], [sflag:$0x3] =	stream.linear.gather [hbm4b:s3+s2], $0x80, $0x38;
	[tilespmem:$0x1500] =	vst v63  }
0x8: {  	s6 =	simm.s32 $0x80;
	s5 =	simm.s32 $0x3;
	s4 =	sadd.s32 $0x1800, s4  }
0x9: {  	[tilespmem:s6], [sflag:$0x3] =	stream.linear.gather [hbm4b:s4+s2], $0x80, $0x38;
	[tilespmem:$0x1500] =	vst v63  }
0xa: {  	_ =	swait.ge [sflag:s5], $0x80  }
0xb: {  	[sflag:s5] =	ssyncset.done $0x0  }
0xc: {  	[sflag:s5] =	ssyncadd.s32 $0xFFFFFF80  }
0xd: {  	_ =	swait.ge [sflag:s5], $0x80  }
0xe: {  	[sflag:s5] =	ssyncset.done $0x0  }
0xf: {  	[sflag:s5] =	ssyncadd.s32 $0xFFFFFF80  }
0x10: {  	v0 =	vld [tilespmem:$0x80]  }
0x11: {  	v1 =	vld [tilespmem:$0x0];
	_ =	sdelay $0x3  }
0x12: {  	s8 =	sshll.u32 s24, $0x10;
	v2 =	vshll.u32 v0, $0xE  }
0x13: {  	s9 =	simm.s32 $0x180;
	v0 =	vmov s8;
	v2 =	vadd.s32 v1, v2  }
0x14: {  	s10 =	simm.s32 $0xD00;
	s7 =	sadd.s32 $0x201600, s22;
	s8 =	simm.s32 $0x10;
	v3 =	vadd.s32 v0, v1;
	[tilespmem:$0x180] =	vst v2  }
0x15: {  	v2 =	vadd.s32 $0x4000, v3;
	[tilespmem:s10], [sflag:$0x2] =	stream.indirect.gather [hbm4b:s7+s8], $0x80, s9, s8, $0xb8;
	[tilespmem:$0x1500] =	vst v63  }
0x16: {  	s12 =	simm.s32 $0x200;
	s13 =	simm.s32 $0x380;
	s11 =	sadd.s32 $0x1A00, s22;
	[tilespmem:$0x200] =	vst v2  }
0x17: {  	v2 =	vadd.s32 $0x8000, v3;
	[tilespmem:s13], [sflag:$0x1] =	stream.indirect.gather [hbm4b:s11+s8], $0x1, s12, s8, $0xb8;
	[tilespmem:$0x1500] =	vst v63  }
0x18: {  	s14 =	simm.s32 $0x280;
	s15 =	simm.s32 $0x400;
	[tilespmem:$0x280] =	vst v2  }
0x19: {  	v2 =	vadd.s32 $0xC000, v3;
	[tilespmem:s15], [sflag:$0x1] =	stream.indirect.gather [hbm4b:s11+s8], $0x1, s14, s8, $0xb8;
	[tilespmem:$0x1500] =	vst v63  }
0x1a: {  	s16 =	simm.s32 $0x300;
	s17 =	simm.s32 $0x480;
	s18 =	simm.s32 $0x1;
	[tilespmem:$0x300] =	vst v2  }
0x1b: {  	[tilespmem:s17], [sflag:$0x1] =	stream.indirect.gather [hbm4b:s11+s8], $0x1, s16, s8, $0xb8;
	[tilespmem:$0x1500] =	vst v63  }
0x1c: {  	_ =	swait.ge [sflag:s18], $0x10  }
0x1d: {  	[sflag:s18] =	ssyncset.done $0x0  }
0x1e: {  	[sflag:s18] =	ssyncadd.s32 $0xFFFFFFF0  }
0x1f: {  	_ =	swait.ge [sflag:s18], $0x10  }
0x20: {  	[sflag:s18] =	ssyncset.done $0x0  }
0x21: {  	[sflag:s18] =	ssyncadd.s32 $0xFFFFFFF0  }
0x22: {  	_ =	swait.ge [sflag:s18], $0x10  }
0x23: {  	[sflag:s18] =	ssyncset.done $0x0  }
0x24: {  	[sflag:s18] =	ssyncadd.s32 $0xFFFFFFF0  }
0x25: {  	v2 =	vld [tilespmem:$0x400]  }
0x26: {  	v3 =	vld [tilespmem:$0x480]  }
0x27: {  	v4 =	vld [tilespmem:$0x380];
	_ =	sdelay $0x2  }
0x28: {  	v2 =	vadd.f32 v2, v2;
	_ =	sdelay $0x1  }
0x29: {  	v3 =	vmul.f32 $3.000000000e+00, v3;
	v2 =	vadd.f32 v2, v4;
	_ =	sdelay $0x1  }
0x2a: {  	v2 =	vadd.f32 v3, v2;
	_ =	sdelay $0x1  }
0x2b: {  	v2 =	vtrunc.f32 v2  }
0x2c: {  	v2 =	vcvt.f32.s32 v2;
	_ =	sdelay $0x1  }
0x2d: {  	v2 =	vshll.u32 v2, $0xE  }
0x2e: {  	v1 =	vadd.s32 v1, v2  }
0x2f: {  	s19 =	simm.s32 $0x100;
	s20 =	simm.s32 $0x500;
	s21 =	simm.s32 $0x2;
	[tilespmem:$0x100] =	vst v1  }
0x30: {  	[tilespmem:s20], [sflag:$0x2] =	stream.indirect.gather [hbm4b:s7+s8], $0x80, s19, s8, $0xb8;
	[tilespmem:$0x1500] =	vst v63  }
0x31: {  	_ =	swait.ge [sflag:s21], $0x800  }
0x32: {  	s24 =	sshll.u32 s24, $0x8;
	[sflag:s21] =	ssyncset.done $0x0  }
0x33: {  	s25 =	ssub.s32 $0x2, s23;
	s24 =	sadd.s32 s24, s22;
	[sflag:s21] =	ssyncadd.s32 $0xFFFFF800  }
0x34: {  	s31 =	sshrl.u32 s25, $0x1;
	s22 =	sadd.s32 $0x41A00, s24;
	_ =	swait.ge [sflag:s21], $0x800  }
0x35: {  	s23 =	sadd.s32 $0x43A00, s24;
	s24 =	ssub.s32 s25, s31;
	[sflag:s21] =	ssyncset.done $0x0  }
0x36: {  	s24 =	smax.u32 s24, $0x1;
	[sflag:s21] =	ssyncadd.s32 $0xFFFFF800  }
0x37: {  	[hbm4b:s22+s2] =	stream.linear.scatter [tilespmem:s10], [sflag:$0x3], $0x800, $0x38;
	[tilespmem:$0x1500] =	vst v63  }
0x38: {  	p0 =	sne.s32 s24, $0x1  }
0x39: {  	[hbm4b:s23+s2] =	stream.linear.scatter [tilespmem:s20], [sflag:$0x3], $0x800, $0x38;
	[tilespmem:$0x1500] =	vst v63  }
.Ltmp0:
0x3a: {  	_ =	swait.ge [sflag:s5], $0x800;
	(pc) =	sbr.rel @!p0 .LBB2_2-.Ltmp0, $4  }
0x3b: {  	[sflag:s5] =	ssyncset.done $0x0  }
0x3c: {  	[sflag:s5] =	ssyncadd.s32 $0xFFFFF800  }
0x3d: {  	_ =	swait.ge [sflag:s5], $0x800  }
0x3e: {  	s24 =	sadd.s32 $0xFFFFFFFF, s24;
	[sflag:s5] =	ssyncset.done $0x0  }
.LBB2_1:
0x3f: {  	p0 =	sne.s32 s24, $0x1;
	s24 =	sadd.s32 $0xFFFFFFFF, s24;
	[sflag:s5] =	ssyncadd.s32 $0xFFFFF800  }
0x40: {  	[tilespmem:s2], [sflag:$0x3] =	stream.linear.gather [hbm4b:s3+s2], $0x80, $0x38;
	[tilespmem:$0x1500] =	vst v63  }
0x41: {  	_ = 	snop  }
0x42: {  	[tilespmem:s6], [sflag:$0x3] =	stream.linear.gather [hbm4b:s4+s2], $0x80, $0x38;
	[tilespmem:$0x1500] =	vst v63  }
0x43: {  	_ =	swait.ge [sflag:s5], $0x80  }
0x44: {  	[sflag:s5] =	ssyncset.done $0x0  }
0x45: {  	[sflag:s5] =	ssyncadd.s32 $0xFFFFFF80  }
0x46: {  	_ =	swait.ge [sflag:s5], $0x80  }
0x47: {  	[sflag:s5] =	ssyncset.done $0x0  }
0x48: {  	[sflag:s5] =	ssyncadd.s32 $0xFFFFFF80  }
0x49: {  	v1 =	vld [tilespmem:$0x80]  }
0x4a: {  	v2 =	vld [tilespmem:$0x0];
	_ =	sdelay $0x3  }
0x4b: {  	v1 =	vshll.u32 v1, $0xE  }
0x4c: {  	v1 =	vadd.s32 v2, v1;
	v3 =	vadd.s32 v0, v2  }
0x4d: {  	[tilespmem:$0x180] =	vst v1  }
0x4e: {  	v1 =	vadd.s32 $0x4000, v3;
	[tilespmem:s10], [sflag:$0x2] =	stream.indirect.gather [hbm4b:s7+s8], $0x80, s9, s8, $0xb8;
	[tilespmem:$0x1500] =	vst v63  }
0x4f: {  	[tilespmem:$0x200] =	vst v1  }
0x50: {  	v1 =	vadd.s32 $0x8000, v3;
	[tilespmem:s13], [sflag:$0x1] =	stream.indirect.gather [hbm4b:s11+s8], $0x1, s12, s8, $0xb8;
	[tilespmem:$0x1500] =	vst v63  }
0x51: {  	[tilespmem:$0x280] =	vst v1  }
0x52: {  	v1 =	vadd.s32 $0xC000, v3;
	[tilespmem:s15], [sflag:$0x1] =	stream.indirect.gather [hbm4b:s11+s8], $0x1, s14, s8, $0xb8;
	[tilespmem:$0x1500] =	vst v63  }
0x53: {  	[tilespmem:$0x300] =	vst v1  }
0x54: {  	[tilespmem:s17], [sflag:$0x1] =	stream.indirect.gather [hbm4b:s11+s8], $0x1, s16, s8, $0xb8;
	[tilespmem:$0x1500] =	vst v63  }
0x55: {  	_ =	swait.ge [sflag:s18], $0x10  }
0x56: {  	[sflag:s18] =	ssyncset.done $0x0  }
0x57: {  	[sflag:s18] =	ssyncadd.s32 $0xFFFFFFF0  }
0x58: {  	_ =	swait.ge [sflag:s18], $0x10  }
0x59: {  	[sflag:s18] =	ssyncset.done $0x0  }
0x5a: {  	[sflag:s18] =	ssyncadd.s32 $0xFFFFFFF0  }
0x5b: {  	_ =	swait.ge [sflag:s18], $0x10  }
0x5c: {  	[sflag:s18] =	ssyncset.done $0x0  }
0x5d: {  	[sflag:s18] =	ssyncadd.s32 $0xFFFFFFF0  }
0x5e: {  	v1 =	vld [tilespmem:$0x400]  }
0x5f: {  	v3 =	vld [tilespmem:$0x480]  }
0x60: {  	v4 =	vld [tilespmem:$0x380];
	_ =	sdelay $0x2  }
0x61: {  	v1 =	vadd.f32 v1, v1;
	_ =	sdelay $0x1  }
0x62: {  	v3 =	vmul.f32 $3.000000000e+00, v3;
	v1 =	vadd.f32 v1, v4;
	_ =	sdelay $0x1  }
0x63: {  	v1 =	vadd.f32 v3, v1;
	_ =	sdelay $0x1  }
0x64: {  	v1 =	vtrunc.f32 v1  }
0x65: {  	v1 =	vcvt.f32.s32 v1;
	_ =	sdelay $0x1  }
0x66: {  	v1 =	vshll.u32 v1, $0xE  }
0x67: {  	v1 =	vadd.s32 v2, v1  }
0x68: {  	[tilespmem:$0x100] =	vst v1  }
0x69: {  	[tilespmem:s20], [sflag:$0x2] =	stream.indirect.gather [hbm4b:s7+s8], $0x80, s19, s8, $0xb8;
	[tilespmem:$0x1500] =	vst v63  }
0x6a: {  	_ =	swait.ge [sflag:s21], $0x800  }
0x6b: {  	[sflag:s21] =	ssyncset.done $0x0  }
0x6c: {  	[sflag:s21] =	ssyncadd.s32 $0xFFFFF800  }
0x6d: {  	_ =	swait.ge [sflag:s21], $0x800  }
0x6e: {  	[sflag:s21] =	ssyncset.done $0x0  }
0x6f: {  	[sflag:s21] =	ssyncadd.s32 $0xFFFFF800  }
0x70: {  	[hbm4b:s22+s2] =	stream.linear.scatter [tilespmem:s10], [sflag:$0x3], $0x800, $0x38;
	[tilespmem:$0x1500] =	vst v63  }
0x71: {  	_ = 	snop  }
0x72: {  	[hbm4b:s23+s2] =	stream.linear.scatter [tilespmem:s20], [sflag:$0x3], $0x800, $0x38;
	[tilespmem:$0x1500] =	vst v63  }
.Ltmp1:
0x73: {  	_ =	swait.ge [sflag:s5], $0x800;
	(pc) =	sbr.rel @p0 .LBB2_1-.Ltmp1, $4  }
0x74: {  	[sflag:s5] =	ssyncset.done $0x0  }
0x75: {  	[sflag:s5] =	ssyncadd.s32 $0xFFFFF800  }
0x76: {  	_ =	swait.ge [sflag:s5], $0x800  }
0x77: {  	[sflag:s5] =	ssyncset.done $0x0  }
.LBB2_2:
0x78: {  	[sflag:s5] =	ssyncadd.s32 $0xFFFFF800  }
0x79: {  	_ =	sfence.sel $0x180000  }
0x7a: {  	[bflag:$0x0] =	sbarrier.arrive $0xFFFF  }
0x7b: {  	p0 =	sne.s32 s0, $0x0;
	_ =	strace $0x90000047  }
0x7c: {  	s0 =	sadd.s32 @!p0 $0x100000, s1;
	[bflag:$0x2] =	sbarrier.arrive $0xFFFF  }
0x7d: {  	[sflag:s0] =	ssyncadd.tile.s32 @!p0 $0x1;
	_ =	shalt  }
.Lfunc_end2:
_tile_overlayer_lowered:
.L_overlay_start_2:
0x7e: {  	(tag) =	ssettag $0x2  }
0x7f: {  	s0 =	rddreg [dreg:$0x0];
	s2 =	stileid.u32  }
0x80: {  	s1 =	rddreg [dreg:$0x1];
	p0 =	sne.s32 s2, $0x0  }
0x81: {  	s3 =	rddreg [dreg:$0x2];
	[bflag:$0x3] =	sbarrier.arrive $0xFFFF;
	s2 =	simm.s32 @!p0 $0x1C04  }
0x82: {  	[timem:s3], [sflag:s2] =	dma.local @!p0 [hbm:s0], s1  }
0x83: {  	s0 =	simm.s32 @!p0 $0x4  }
0x84: {  	_ =	swait.ge @!p0 [sflag:s0], s1  }
0x85: {  	s1 =	ssub.s32 @!p0 $0x0, s1;
	[sflag:s0] =	ssyncset.done @!p0 $0x0  }
0x86: {  	[sflag:s0] =	ssyncadd.s32 @!p0 s1  }
0x87: {  	[bflag:$0x3] =	sbarrier.arrive $0xFFFF  }
0x88: {  	_ =	shalt  }

</sc_bundles>
